<compile_context>
chip_gen: v7x
topology: tpu7x:2x2x1
jax: 0.10.2.dev20260603
libtpu: 0.0.44.dev20260713+nightly
codegen_flags: <defaults>
</compile_context>

<pallas_src>
import functools

import jax
import jax.numpy as jnp
from jax import lax
from jax.experimental import pallas as pl
from jax.experimental.pallas import tpu as pltpu
from jax.experimental.pallas import tpu_sc as plsc

N = 10000
E = 320000
D = 128
G = 64

NUM_WORKERS = 32
LANES = 16
CH = 9984
TAIL = E - NUM_WORKERS * CH
TAIL_BASE = NUM_WORKERS * CH


def _proj_body(x_ref, w_ref, p_ref, q_ref):
    ph = lax.dot_general(
        w_ref[...], x_ref[...], (((1,), (1,)), ((), ())),
        preferred_element_type=jnp.float32,
        precision=lax.Precision.DEFAULT)
    p_ref[...] = ph[0:1, :]
    q_ref[...] = ph[1:2, :]


def _proj(x, w2):
    return pl.pallas_call(
        _proj_body,
        out_shape=[jax.ShapeDtypeStruct((1, N), jnp.float32),
                   jax.ShapeDtypeStruct((1, N), jnp.float32)],
    )(x, w2)


def _edge_body(p_hbm, ei_hbm, out_hbm, p_loc, e_loc, sd_loc, tl_loc, sem):
    wid = lax.axis_index("s") * 2 + lax.axis_index("c")
    base = wid * CH
    cp_p = pltpu.async_copy(p_hbm.at[0], p_loc, sem)
    cp_sd = pltpu.async_copy(ei_hbm.at[pl.ds(0, 2), pl.ds(base, CH)], sd_loc, sem)
    cp_tl = pltpu.async_copy(
        ei_hbm.at[pl.ds(0, 2), pl.ds(TAIL_BASE, TAIL)], tl_loc, sem)

    zeros = jnp.zeros((LANES,), jnp.float32)

    @pl.loop(0, N, step=LANES)
    def _(i):
        e_loc[pl.ds(i, LANES)] = zeros

    cp_p.wait()
    cp_sd.wait()
    cp_tl.wait()

    @pl.loop(0, CH, step=LANES)
    def _(i):
        s = sd_loc[0, pl.ds(i, LANES)]
        d = sd_loc[1, pl.ds(i, LANES)]
        vals = plsc.load_gather(p_loc, [s])
        plsc.addupdate_scatter(e_loc, [d], vals)

    toff = wid * LANES
    s = tl_loc[0, pl.ds(toff, LANES)]
    d = tl_loc[1, pl.ds(toff, LANES)]
    vals = plsc.load_gather(p_loc, [s])
    plsc.addupdate_scatter(e_loc, [d], vals)

    pltpu.sync_copy(e_loc, out_hbm.at[wid])


def _edge_partials(p, edge_index):
    mesh = plsc.VectorSubcoreMesh(core_axis_name="c", subcore_axis_name="s")
    kern = functools.partial(
        pl.kernel,
        out_type=jax.ShapeDtypeStruct((NUM_WORKERS, N), jnp.float32),
        mesh=mesh,
        compiler_params=pltpu.CompilerParams(needs_layout_passes=False),
        scratch_types=[
            pltpu.VMEM((N,), jnp.float32),
            pltpu.VMEM((N,), jnp.float32),
            pltpu.VMEM((2, CH), jnp.int32),
            pltpu.VMEM((2, TAIL), jnp.int32),
            pltpu.SemaphoreType.DMA,
        ],
    )(_edge_body)
    return kern(p, edge_index)


def _pool_body(pt_ref, q_ref, x_ref, b2_ref, bias_ref, gx_ref):
    e = jnp.sum(pt_ref[...], axis=0, keepdims=True)
    h = e + q_ref[...] + bias_ref[0, 0]
    gids = lax.broadcasted_iota(jnp.int32, (G, 1), 0)
    oht = b2_ref[...] == gids
    neg = jnp.float32(-3e38)
    segmax = jnp.max(jnp.where(oht, h, neg), axis=1, keepdims=True)
    gmax = jnp.max(jnp.where(oht, segmax, neg), axis=0, keepdims=True)
    hexp = jnp.exp(h - gmax)
    denom = jnp.sum(jnp.where(oht, hexp, 0.0), axis=1, keepdims=True)
    gden = jnp.sum(jnp.where(oht, denom, 0.0), axis=0, keepdims=True)
    scores = hexp / (gden + 1e-16)
    s = jnp.where(oht, scores, 0.0)
    gx_ref[...] = lax.dot_general(
        s, x_ref[...], (((1,), (0,)), ((), ())),
        preferred_element_type=jnp.float32,
        precision=lax.Precision.DEFAULT)


def _pool(partials, q, x, batch2, bias):
    return pl.pallas_call(
        _pool_body,
        out_shape=jax.ShapeDtypeStruct((G, D), jnp.float32),
    )(partials, q, x, batch2, bias)


def kernel(x, edge_index, batch, W_rel, W_root, b):
    w2 = jnp.concatenate([W_rel, W_root], axis=1).T
    p, q = _proj(x, w2)
    partials = _edge_partials(p, edge_index)
    batch2 = batch.reshape(1, N)
    bias = b.reshape(1, 1)
    return _pool(partials, q, x, batch2, bias)

# --- scband reference (transcript-rebuilt; emitter-appended) ---
"""Pipeline reference for scband-global-attention-pool-31963146616865 (READ-ONLY COPY).

The authoritative reference and input builder live on the scoring server;
editing this copy changes nothing except your own understanding.
"""

import jax, jax.numpy as jnp
import numpy as np

N = 10000
E = 320000
D = 128
G = 64

def setup_inputs(seed: int = 0) -> dict:
    key = jax.random.key(seed)
    k1, k2, k3, k4, k5 = jax.random.split(key, 5)
    x = jax.random.normal(k1, (N, D), dtype=jnp.float32)
    edge_index = jax.random.randint(k2, (2, E), 0, N, dtype=jnp.int32)
    batch = jnp.sort(jax.random.randint(k3, (N,), 0, G, dtype=jnp.int32))
    scale = 1.0 / np.sqrt(D)
    W_rel = jax.random.normal(k4, (D, 1), dtype=jnp.float32) * scale
    W_root = jax.random.normal(k5, (D, 1), dtype=jnp.float32) * scale
    b = jnp.zeros((1,), dtype=jnp.float32)
    return {"x": x, "edge_index": edge_index, "batch": batch, "W_rel": W_rel, "W_root": W_root, "b": b}

def reference(x, edge_index, batch, W_rel, W_root, b):
    # GraphConv(hidden_dim, 1): out_i = W_rel @ sum_{j->i} x_j + W_root @ x_i + b
    src = edge_index[0]
    dst = edge_index[1]
    msg = jnp.take(x, src, axis=0)                       # gather [E, D]
    agg = jax.ops.segment_sum(msg, dst, num_segments=N)  # scatter-add [N, D]
    h = agg @ W_rel + x @ W_root + b                     # [N, 1]
    # torch_geometric.utils.softmax over batch segments (dim=0)
    seg_max = jax.ops.segment_max(h, batch, num_segments=G)   # [G, 1]
    h_exp = jnp.exp(h - seg_max[batch])                        # [N, 1]
    denom = jax.ops.segment_sum(h_exp, batch, num_segments=G)  # [G, 1]
    scores = h_exp / (denom[batch] + 1e-16)                    # [N, 1]
    # global_add_pool(x * scores, batch)
    gx = jax.ops.segment_sum(x * scores, batch, num_segments=G)  # [G, D]
    return gx

if __name__ == "__main__":
    import jax
    _d = setup_inputs()
    print(jax.jit(kernel)(*tuple(_d.values())))

</pallas_src>

<mosaic_0001>
#map = affine_map<(d0, d1) -> (0, 0)>
module attributes {stable_mosaic.version = 14 : i64} {
  func.func @_edge_body(%arg0: i32, %arg1: i32, %arg2: memref<1x10000xf32, #tpu.memory_space<hbm>>, %arg3: memref<2x320000xi32, #tpu.memory_space<hbm>>, %arg4: memref<32x10000xf32, #tpu.memory_space<hbm>>, %arg5: memref<10000xf32, #tpu.memory_space<vmem>>, %arg6: memref<10000xf32, #tpu.memory_space<vmem>>, %arg7: memref<2x9984xi32, #tpu.memory_space<vmem>>, %arg8: memref<2x512xi32, #tpu.memory_space<vmem>>, %arg9: memref<!tpu.dma_semaphore, #tpu.memory_space<semaphore_mem>>) attributes {dimension_semantics = [#tpu.dimension_semantics<core_parallel>, #tpu.dimension_semantics<subcore_parallel>], iteration_bounds = array<i64: 2, 16>, scalar_prefetch = 0 : i64, scratch_operands = 5 : i64, tpu.core_type = #tpu.core_type<sc_vector_subcore>, window_params = [{transform_indices = #map}, {transform_indices = #map}, {transform_indices = #map}]} {
    %mul3A = arith.constant 2 : i32
    %mul3A_0 = arith.muli %arg1, %mul3A : i32
    %add3A = arith.addi %mul3A_0, %arg0 : i32
    %mul3A_1 = arith.constant 9984 : i32
    %mul3A_2 = arith.muli %add3A, %mul3A_1 : i32
    %dma_start3A = arith.constant 0 : i32
    %dma_start3A_3 = arith.constant 0 : i32
    %dma_start3A_4 = tpu.memref_slice %arg2[%dma_start3A, %dma_start3A_3] : memref<1x10000xf32, #tpu.memory_space<hbm>> -> memref<1x10000xf32, #tpu.memory_space<hbm>>
    %dma_start3A_5 = tpu.memref_squeeze %dma_start3A_4 : memref<1x10000xf32, #tpu.memory_space<hbm>> -> memref<10000xf32, #tpu.memory_space<hbm>>
    %dma_start3A_6 = arith.constant 0 : i32
    %dma_start3A_7 = tpu.memref_slice %arg2[%dma_start3A, %dma_start3A_6] : memref<1x10000xf32, #tpu.memory_space<hbm>> -> memref<1x10000xf32, #tpu.memory_space<hbm>>
    %dma_start3A_8 = tpu.memref_squeeze %dma_start3A_7 : memref<1x10000xf32, #tpu.memory_space<hbm>> -> memref<10000xf32, #tpu.memory_space<hbm>>
    tpu.enqueue_dma source(%dma_start3A_8 : memref<10000xf32, #tpu.memory_space<hbm>>) target(%arg5 : memref<10000xf32, #tpu.memory_space<vmem>>) target_semaphore(%arg9 : memref<!tpu.dma_semaphore, #tpu.memory_space<semaphore_mem>>)
    %dma_start3A_9 = arith.constant 0 : i32
    %dma_start3A_10 = tpu.memref_slice %arg3[%dma_start3A_9, %mul3A_2] : memref<2x320000xi32, #tpu.memory_space<hbm>> -> memref<2x9984xi32, #tpu.memory_space<hbm>>
    %dma_start3A_11 = arith.constant 0 : i32
    %dma_start3A_12 = tpu.memref_slice %arg3[%dma_start3A_11, %mul3A_2] : memref<2x320000xi32, #tpu.memory_space<hbm>> -> memref<2x9984xi32, #tpu.memory_space<hbm>>
    tpu.enqueue_dma source(%dma_start3A_12 : memref<2x9984xi32, #tpu.memory_space<hbm>>) target(%arg7 : memref<2x9984xi32, #tpu.memory_space<vmem>>) target_semaphore(%arg9 : memref<!tpu.dma_semaphore, #tpu.memory_space<semaphore_mem>>)
    %dma_start3A_13 = arith.constant 0 : i32
    %dma_start3A_14 = arith.constant 319488 : i32
    %dma_start3A_15 = tpu.memref_slice %arg3[%dma_start3A_13, %dma_start3A_14] : memref<2x320000xi32, #tpu.memory_space<hbm>> -> memref<2x512xi32, #tpu.memory_space<hbm>>
    %dma_start3A_16 = arith.constant 0 : i32
    %dma_start3A_17 = arith.constant 319488 : i32
    %dma_start3A_18 = tpu.memref_slice %arg3[%dma_start3A_16, %dma_start3A_17] : memref<2x320000xi32, #tpu.memory_space<hbm>> -> memref<2x512xi32, #tpu.memory_space<hbm>>
    tpu.enqueue_dma source(%dma_start3A_18 : memref<2x512xi32, #tpu.memory_space<hbm>>) target(%arg8 : memref<2x512xi32, #tpu.memory_space<vmem>>) target_semaphore(%arg9 : memref<!tpu.dma_semaphore, #tpu.memory_space<semaphore_mem>>)
    %broadcast_in_dim3A = arith.constant 0.000000e+00 : f32
    %broadcast_in_dim3A_19 = vector.broadcast %broadcast_in_dim3A : f32 to vector<16xf32>
    %scan3A = arith.constant 0 : i32
    %scan3A_20 = arith.constant 625 : i32
    %scan3A_21 = arith.addi %scan3A, %scan3A_20 : i32
    %scan3A_22 = arith.constant 1 : i32
    scf.for %scan3A_54 = %scan3A to %scan3A_21 step %scan3A_22  : i32 {
      %mul3A_55 = arith.constant 16 : i32
      %mul3A_56 = arith.muli %scan3A_54, %mul3A_55 : i32
      %add3A_57 = arith.constant 0 : i32
      %add3A_58 = arith.addi %add3A_57, %mul3A_56 : i32
      %swap3A = arith.index_cast %add3A_58 : i32 to index
      %swap3A_59 = tpu.vector_load %arg6[%swap3A] {strides = array<i32>} : memref<10000xf32, #tpu.memory_space<vmem>>, vector<16xf32>,
      tpu.vector_store %arg6[%swap3A], %broadcast_in_dim3A_19 {strides = array<i32>} : memref<10000xf32, #tpu.memory_space<vmem>>, vector<16xf32>,
    }
    %scan3A_23 = arith.constant 625 : i32
    %dma_wait3A = arith.constant 0 : i32
    %dma_wait3A_24 = arith.constant 0 : i32
    %dma_wait3A_25 = tpu.memref_slice %arg2[%dma_wait3A, %dma_wait3A_24] : memref<1x10000xf32, #tpu.memory_space<hbm>> -> memref<1x10000xf32, #tpu.memory_space<hbm>>
    %dma_wait3A_26 = tpu.memref_squeeze %dma_wait3A_25 : memref<1x10000xf32, #tpu.memory_space<hbm>> -> memref<10000xf32, #tpu.memory_space<hbm>>
    %dma_wait3A_27 = arith.constant 0 : i32
    %dma_wait3A_28 = tpu.memref_slice %arg2[%dma_wait3A, %dma_wait3A_27] : memref<1x10000xf32, #tpu.memory_space<hbm>> -> memref<1x10000xf32, #tpu.memory_space<hbm>>
    %dma_wait3A_29 = tpu.memref_squeeze %dma_wait3A_28 : memref<1x10000xf32, #tpu.memory_space<hbm>> -> memref<10000xf32, #tpu.memory_space<hbm>>
    tpu.wait_dma2 semaphore(%arg9 : memref<!tpu.dma_semaphore, #tpu.memory_space<semaphore_mem>>) src(%dma_wait3A_29 : memref<10000xf32, #tpu.memory_space<hbm>>) dst(%arg5 : memref<10000xf32, #tpu.memory_space<vmem>>)
    %dma_wait3A_30 = arith.constant 0 : i32
    %dma_wait3A_31 = tpu.memref_slice %arg3[%dma_wait3A_30, %mul3A_2] : memref<2x320000xi32, #tpu.memory_space<hbm>> -> memref<2x9984xi32, #tpu.memory_space<hbm>>
    %dma_wait3A_32 = arith.constant 0 : i32
    %dma_wait3A_33 = tpu.memref_slice %arg3[%dma_wait3A_32, %mul3A_2] : memref<2x320000xi32, #tpu.memory_space<hbm>> -> memref<2x9984xi32, #tpu.memory_space<hbm>>
    tpu.wait_dma2 semaphore(%arg9 : memref<!tpu.dma_semaphore, #tpu.memory_space<semaphore_mem>>) src(%dma_wait3A_33 : memref<2x9984xi32, #tpu.memory_space<hbm>>) dst(%arg7 : memref<2x9984xi32, #tpu.memory_space<vmem>>)
    %dma_wait3A_34 = arith.constant 0 : i32
    %dma_wait3A_35 = arith.constant 319488 : i32
    %dma_wait3A_36 = tpu.memref_slice %arg3[%dma_wait3A_34, %dma_wait3A_35] : memref<2x320000xi32, #tpu.memory_space<hbm>> -> memref<2x512xi32, #tpu.memory_space<hbm>>
    %dma_wait3A_37 = arith.constant 0 : i32
    %dma_wait3A_38 = arith.constant 319488 : i32
    %dma_wait3A_39 = tpu.memref_slice %arg3[%dma_wait3A_37, %dma_wait3A_38] : memref<2x320000xi32, #tpu.memory_space<hbm>> -> memref<2x512xi32, #tpu.memory_space<hbm>>
    tpu.wait_dma2 semaphore(%arg9 : memref<!tpu.dma_semaphore, #tpu.memory_space<semaphore_mem>>) src(%dma_wait3A_39 : memref<2x512xi32, #tpu.memory_space<hbm>>) dst(%arg8 : memref<2x512xi32, #tpu.memory_space<vmem>>)
    %scan3A_40 = arith.constant 0 : i32
    %scan3A_41 = arith.constant 624 : i32
    %scan3A_42 = arith.addi %scan3A_40, %scan3A_41 : i32
    %scan3A_43 = arith.constant 1 : i32
    scf.for %scan3A_54 = %scan3A_40 to %scan3A_42 step %scan3A_43  : i32 {
      %mul3A_55 = arith.constant 16 : i32
      %mul3A_56 = arith.muli %scan3A_54, %mul3A_55 : i32
      %add3A_57 = arith.constant 0 : i32
      %add3A_58 = arith.addi %add3A_57, %mul3A_56 : i32
      %get3A_59 = arith.constant 0 : i32
      %get3A_60 = arith.index_cast %get3A_59 : i32 to index
      %get3A_61 = arith.index_cast %add3A_58 : i32 to index
      %get3A_62 = tpu.vector_load %arg7[%get3A_60, %get3A_61] {strides = array<i32>} : memref<2x9984xi32, #tpu.memory_space<vmem>>, vector<16xi32>,
      %get3A_63 = arith.constant 1 : i32
      %get3A_64 = arith.index_cast %get3A_63 : i32 to index
      %get3A_65 = arith.index_cast %add3A_58 : i32 to index
      %get3A_66 = tpu.vector_load %arg7[%get3A_64, %get3A_65] {strides = array<i32>} : memref<2x9984xi32, #tpu.memory_space<vmem>>, vector<16xi32>,
      %gather3A_67 = tpu.vector_load_idx %arg5[%get3A_62] : memref<10000xf32, #tpu.memory_space<vmem>>[vector<16xi32>], vector<16xf32>,
      tpu.vector_store_idx %arg6[%get3A_66], %gather3A_67 {add = true} : memref<10000xf32, #tpu.memory_space<vmem>>[vector<16xi32>], vector<16xf32>,
    }
    %scan3A_44 = arith.constant 624 : i32
    %mul3A_45 = arith.constant 16 : i32
    %mul3A_46 = arith.muli %add3A, %mul3A_45 : i32
    %get3A = arith.constant 0 : i32
    %get3A_47 = arith.index_cast %get3A : i32 to index
    %get3A_48 = arith.index_cast %mul3A_46 : i32 to index
    %get3A_49 = tpu.vector_load %arg8[%get3A_47, %get3A_48] {strides = array<i32>} : memref<2x512xi32, #tpu.memory_space<vmem>>, vector<16xi32>,
    %get3A_50 = arith.constant 1 : i32
    %get3A_51 = arith.index_cast %get3A_50 : i32 to index
    %get3A_52 = arith.index_cast %mul3A_46 : i32 to index
    %get3A_53 = tpu.vector_load %arg8[%get3A_51, %get3A_52] {strides = array<i32>} : memref<2x512xi32, #tpu.memory_space<vmem>>, vector<16xi32>,
    %gather3A = tpu.vector_load_idx %arg5[%get3A_49] : memref<10000xf32, #tpu.memory_space<vmem>>[vector<16xi32>], vector<16xf32>,
    tpu.vector_store_idx %arg6[%get3A_53], %gather3A {add = true} : memref<10000xf32, #tpu.memory_space<vmem>>[vector<16xi32>], vector<16xf32>,
    "tpu.region"() ({
      %run_scoped3A = tpu.sem_alloc : memref<!tpu.dma_semaphore, #tpu.memory_space<semaphore_mem>>
      %dma_start3A_54 = arith.constant 0 : i32
      %dma_start3A_55 = tpu.memref_slice %arg4[%add3A, %dma_start3A_54] : memref<32x10000xf32, #tpu.memory_space<hbm>> -> memref<1x10000xf32, #tpu.memory_space<hbm>>
      %dma_start3A_56 = tpu.memref_squeeze %dma_start3A_55 : memref<1x10000xf32, #tpu.memory_space<hbm>> -> memref<10000xf32, #tpu.memory_space<hbm>>
      %dma_start3A_57 = arith.constant 0 : i32
      %dma_start3A_58 = tpu.memref_slice %arg4[%add3A, %dma_start3A_57] : memref<32x10000xf32, #tpu.memory_space<hbm>> -> memref<1x10000xf32, #tpu.memory_space<hbm>>
      %dma_start3A_59 = tpu.memref_squeeze %dma_start3A_58 : memref<1x10000xf32, #tpu.memory_space<hbm>> -> memref<10000xf32, #tpu.memory_space<hbm>>
      tpu.enqueue_dma source(%arg6 : memref<10000xf32, #tpu.memory_space<vmem>>) target(%dma_start3A_59 : memref<10000xf32, #tpu.memory_space<hbm>>) target_semaphore(%run_scoped3A : memref<!tpu.dma_semaphore, #tpu.memory_space<semaphore_mem>>)
      %dma_wait3A_60 = arith.constant 0 : i32
      %dma_wait3A_61 = tpu.memref_slice %arg4[%add3A, %dma_wait3A_60] : memref<32x10000xf32, #tpu.memory_space<hbm>> -> memref<1x10000xf32, #tpu.memory_space<hbm>>
      %dma_wait3A_62 = tpu.memref_squeeze %dma_wait3A_61 : memref<1x10000xf32, #tpu.memory_space<hbm>> -> memref<10000xf32, #tpu.memory_space<hbm>>
      %dma_wait3A_63 = arith.constant 0 : i32
      %dma_wait3A_64 = tpu.memref_slice %arg4[%add3A, %dma_wait3A_63] : memref<32x10000xf32, #tpu.memory_space<hbm>> -> memref<1x10000xf32, #tpu.memory_space<hbm>>
      %dma_wait3A_65 = tpu.memref_squeeze %dma_wait3A_64 : memref<1x10000xf32, #tpu.memory_space<hbm>> -> memref<10000xf32, #tpu.memory_space<hbm>>
      tpu.wait_dma2 semaphore(%run_scoped3A : memref<!tpu.dma_semaphore, #tpu.memory_space<semaphore_mem>>) src(%arg6 : memref<10000xf32, #tpu.memory_space<vmem>>) dst(%dma_wait3A_65 : memref<10000xf32, #tpu.memory_space<hbm>>)
      tpu.yield
    }) : () -> ()
    return
  }
}

module attributes {stable_mosaic.version = 14 : i64} {
  func.func @_pool_body(%arg0: memref<32x10000xf32, #tpu.memory_space<vmem>>, %arg1: memref<1x10000xf32, #tpu.memory_space<vmem>>, %arg2: memref<10000x128xf32, #tpu.memory_space<vmem>>, %arg3: memref<1x10000xi32, #tpu.memory_space<vmem>>, %arg4: memref<1x1xf32, #tpu.memory_space<vmem>>, %arg5: memref<64x128xf32, #tpu.memory_space<vmem>>) attributes {dimension_semantics = [], scalar_prefetch = 0 : i64, scratch_operands = 0 : i64, tpu.core_type = #tpu.core_type<tc>} {
    %get3A = arith.constant 0 : index
    %get3A_0 = arith.constant 0 : index
    %get3A_1 = vector.load %arg0[%get3A, %get3A_0] : memref<32x10000xf32, #tpu.memory_space<vmem>>, vector<32x10000xf32>
    %reduce_sum3A = arith.constant dense<0.000000e+00> : vector<10000xf32>
    %reduce_sum3A_2 = vector.multi_reduction <add>, %get3A_1, %reduce_sum3A [0] : vector<32x10000xf32> to vector<10000xf32>
    %broadcast_in_dim3A = vector.shape_cast %reduce_sum3A_2 : vector<10000xf32> to vector<1x10000xf32>
    %get3A_3 = arith.constant 0 : index
    %get3A_4 = arith.constant 0 : index
    %get3A_5 = vector.load %arg1[%get3A_3, %get3A_4] : memref<1x10000xf32, #tpu.memory_space<vmem>>, vector<1x10000xf32>
    %add3A = arith.addf %broadcast_in_dim3A, %get3A_5 : vector<1x10000xf32>
    %get3A_6 = arith.constant 0 : index
    %get3A_7 = arith.constant 0 : index
    %get3A_8 = vector.load %arg4[%get3A_6, %get3A_7] : memref<1x1xf32, #tpu.memory_space<vmem>>, vector<1x1xf32>
    %get3A_9 = vector.extract %get3A_8[0, 0] : f32 from vector<1x1xf32>
    %add3A_10 = vector.broadcast %get3A_9 : f32 to vector<1x10000xf32>
    %add3A_11 = arith.addf %add3A, %add3A_10 : vector<1x10000xf32>
    %iota3A = tpu.iota {dimensions = array<i32: 0>} : vector<64x1xi32>
    %get3A_12 = arith.constant 0 : index
    %get3A_13 = arith.constant 0 : index
    %get3A_14 = vector.load %arg3[%get3A_12, %get3A_13] : memref<1x10000xi32, #tpu.memory_space<vmem>>, vector<1x10000xi32>
    %eq3A = vector.broadcast %get3A_14 : vector<1x10000xi32> to vector<64x10000xi32>
    %eq3A_15 = vector.broadcast %iota3A : vector<64x1xi32> to vector<64x10000xi32>
    %eq3A_16 = arith.cmpi eq, %eq3A, %eq3A_15 : vector<64x10000xi32>
    %jit3A = arith.constant -3.000000e+38 : f32
    %broadcast_in_dim3A_17 = vector.shape_cast %add3A_11 : vector<1x10000xf32> to vector<1x10000xf32>
    %broadcast_in_dim3A_18 = vector.broadcast %broadcast_in_dim3A_17 : vector<1x10000xf32> to vector<64x10000xf32>
    %broadcast_in_dim3A_19 = vector.broadcast %jit3A : f32 to vector<64x10000xf32>
    %select_n3A = arith.select %eq3A_16, %broadcast_in_dim3A_18, %broadcast_in_dim3A_19 : vector<64x10000xi1>, vector<64x10000xf32>
    %reduce_max3A = arith.constant dense<0xFF800000> : vector<64xf32>
    %reduce_max3A_20 = vector.multi_reduction <maximumf>, %select_n3A, %reduce_max3A [1] : vector<64x10000xf32> to vector<64xf32>
    %broadcast_in_dim3A_21 = vector.shape_cast %reduce_max3A_20 : vector<64xf32> to vector<64x1xf32>
    %jit3A_22 = arith.constant -3.000000e+38 : f32
    %broadcast_in_dim3A_23 = vector.shape_cast %broadcast_in_dim3A_21 : vector<64x1xf32> to vector<64x1xf32>
    %broadcast_in_dim3A_24 = vector.broadcast %broadcast_in_dim3A_23 : vector<64x1xf32> to vector<64x10000xf32>
    %broadcast_in_dim3A_25 = vector.broadcast %jit3A_22 : f32 to vector<64x10000xf32>
    %select_n3A_26 = arith.select %eq3A_16, %broadcast_in_dim3A_24, %broadcast_in_dim3A_25 : vector<64x10000xi1>, vector<64x10000xf32>
    %reduce_max3A_27 = arith.constant dense<0xFF800000> : vector<10000xf32>
    %reduce_max3A_28 = vector.multi_reduction <maximumf>, %select_n3A_26, %reduce_max3A_27 [0] : vector<64x10000xf32> to vector<10000xf32>
    %broadcast_in_dim3A_29 = vector.shape_cast %reduce_max3A_28 : vector<10000xf32> to vector<1x10000xf32>
    %sub3A = arith.subf %add3A_11, %broadcast_in_dim3A_29 : vector<1x10000xf32>
    %exp3A = math.exp %sub3A : vector<1x10000xf32>
    %jit3A_30 = arith.constant 0.000000e+00 : f32
    %broadcast_in_dim3A_31 = vector.shape_cast %exp3A : vector<1x10000xf32> to vector<1x10000xf32>
    %broadcast_in_dim3A_32 = vector.broadcast %broadcast_in_dim3A_31 : vector<1x10000xf32> to vector<64x10000xf32>
    %broadcast_in_dim3A_33 = vector.broadcast %jit3A_30 : f32 to vector<64x10000xf32>
    %select_n3A_34 = arith.select %eq3A_16, %broadcast_in_dim3A_32, %broadcast_in_dim3A_33 : vector<64x10000xi1>, vector<64x10000xf32>
    %reduce_sum3A_35 = arith.constant dense<0.000000e+00> : vector<64xf32>
    %reduce_sum3A_36 = vector.multi_reduction <add>, %select_n3A_34, %reduce_sum3A_35 [1] : vector<64x10000xf32> to vector<64xf32>
    %broadcast_in_dim3A_37 = vector.shape_cast %reduce_sum3A_36 : vector<64xf32> to vector<64x1xf32>
    %jit3A_38 = arith.constant 0.000000e+00 : f32
    %broadcast_in_dim3A_39 = vector.shape_cast %broadcast_in_dim3A_37 : vector<64x1xf32> to vector<64x1xf32>
    %broadcast_in_dim3A_40 = vector.broadcast %broadcast_in_dim3A_39 : vector<64x1xf32> to vector<64x10000xf32>
    %broadcast_in_dim3A_41 = vector.broadcast %jit3A_38 : f32 to vector<64x10000xf32>
    %select_n3A_42 = arith.select %eq3A_16, %broadcast_in_dim3A_40, %broadcast_in_dim3A_41 : vector<64x10000xi1>, vector<64x10000xf32>
    %reduce_sum3A_43 = arith.constant dense<0.000000e+00> : vector<10000xf32>
    %reduce_sum3A_44 = vector.multi_reduction <add>, %select_n3A_42, %reduce_sum3A_43 [0] : vector<64x10000xf32> to vector<10000xf32>
    %broadcast_in_dim3A_45 = vector.shape_cast %reduce_sum3A_44 : vector<10000xf32> to vector<1x10000xf32>
    %add3A_46 = arith.constant 1.000000e-16 : f32
    %add3A_47 = vector.broadcast %add3A_46 : f32 to vector<1x10000xf32>
    %add3A_48 = arith.addf %broadcast_in_dim3A_45, %add3A_47 : vector<1x10000xf32>
    %div3A = arith.divf %exp3A, %add3A_48 : vector<1x10000xf32>
    %jit3A_49 = arith.constant 0.000000e+00 : f32
    %broadcast_in_dim3A_50 = vector.shape_cast %div3A : vector<1x10000xf32> to vector<1x10000xf32>
    %broadcast_in_dim3A_51 = vector.broadcast %broadcast_in_dim3A_50 : vector<1x10000xf32> to vector<64x10000xf32>
    %broadcast_in_dim3A_52 = vector.broadcast %jit3A_49 : f32 to vector<64x10000xf32>
    %select_n3A_53 = arith.select %eq3A_16, %broadcast_in_dim3A_51, %broadcast_in_dim3A_52 : vector<64x10000xi1>, vector<64x10000xf32>
    %get3A_54 = arith.constant 0 : index
    %get3A_55 = arith.constant 0 : index
    %get3A_56 = vector.load %arg2[%get3A_54, %get3A_55] : memref<10000x128xf32, #tpu.memory_space<vmem>>, vector<10000x128xf32>
    %dot_general3A = arith.constant dense<0.000000e+00> : vector<64x128xf32>
    %dot_general3A_57 = tpu.matmul %select_n3A_53, %get3A_56, %dot_general3A {dimension_numbers = #tpu.dot_dimension_numbers<[1], [0], [0], [1], [0, 0, 1, 1], [], []>, transpose_lhs_hint = false} : vector<64x10000xf32>, vector<10000x128xf32>, vector<64x128xf32> -> vector<64x128xf32>
    %swap3A = arith.constant 0 : index
    %swap3A_58 = arith.constant 0 : index
    %swap3A_59 = vector.load %arg5[%swap3A, %swap3A_58] : memref<64x128xf32, #tpu.memory_space<vmem>>, vector<64x128xf32>
    tpu.vector_store %arg5[%swap3A, %swap3A_58], %dot_general3A_57 {strides = array<i32>} : memref<64x128xf32, #tpu.memory_space<vmem>>, vector<64x128xf32>,
    return
  }
}

module attributes {stable_mosaic.version = 14 : i64} {
  func.func @_proj_body(%arg0: memref<10000x128xf32, #tpu.memory_space<vmem>>, %arg1: memref<2x128xf32, #tpu.memory_space<vmem>>, %arg2: memref<1x10000xf32, #tpu.memory_space<vmem>>, %arg3: memref<1x10000xf32, #tpu.memory_space<vmem>>) attributes {dimension_semantics = [], scalar_prefetch = 0 : i64, scratch_operands = 0 : i64, tpu.core_type = #tpu.core_type<tc>} {
    %get3A = arith.constant 0 : index
    %get3A_0 = arith.constant 0 : index
    %get3A_1 = vector.load %arg1[%get3A, %get3A_0] : memref<2x128xf32, #tpu.memory_space<vmem>>, vector<2x128xf32>
    %get3A_2 = arith.constant 0 : index
    %get3A_3 = arith.constant 0 : index
    %get3A_4 = vector.load %arg0[%get3A_2, %get3A_3] : memref<10000x128xf32, #tpu.memory_space<vmem>>, vector<10000x128xf32>
    %dot_general3A = arith.constant dense<0.000000e+00> : vector<2x10000xf32>
    %dot_general3A_5 = tpu.matmul %get3A_1, %get3A_4, %dot_general3A {dimension_numbers = #tpu.dot_dimension_numbers<[1], [1], [0], [0], [0, 0, 1, 0], [], []>, transpose_lhs_hint = false} : vector<2x128xf32>, vector<10000x128xf32>, vector<2x10000xf32> -> vector<2x10000xf32>
    %slice3A = vector.extract_strided_slice %dot_general3A_5 {offsets = [0, 0], sizes = [1, 10000], strides = [1, 1]} : vector<2x10000xf32> to vector<1x10000xf32>
    %swap3A = arith.constant 0 : index
    %swap3A_6 = arith.constant 0 : index
    %swap3A_7 = vector.load %arg2[%swap3A, %swap3A_6] : memref<1x10000xf32, #tpu.memory_space<vmem>>, vector<1x10000xf32>
    tpu.vector_store %arg2[%swap3A, %swap3A_6], %slice3A {strides = array<i32>} : memref<1x10000xf32, #tpu.memory_space<vmem>>, vector<1x10000xf32>,
    %slice3A_8 = vector.extract_strided_slice %dot_general3A_5 {offsets = [1, 0], sizes = [1, 10000], strides = [1, 1]} : vector<2x10000xf32> to vector<1x10000xf32>
    %swap3A_9 = arith.constant 0 : index
    %swap3A_10 = arith.constant 0 : index
    %swap3A_11 = vector.load %arg3[%swap3A_9, %swap3A_10] : memref<1x10000xf32, #tpu.memory_space<vmem>>, vector<1x10000xf32>
    tpu.vector_store %arg3[%swap3A_9, %swap3A_10], %slice3A_8 {strides = array<i32>} : memref<1x10000xf32, #tpu.memory_space<vmem>>, vector<1x10000xf32>,
    return
  }
}

</mosaic_0001>

<sc_bundles>
// kernel: kernel.5.cloned.1.call-start
scs
__scs_entry_jumppad:
0x0: {  	(pc) =	sbr.rel $0x88, $3  }
0x1: {  	(tag) =	ssettag $0x0;
	lr =	simm.s32 $0x1  }
0x2: {  	[smem:$0x3F9B] =	sst lr;
	_ =	strace $0xD0000000  }
0x3: {  	_ = 	snop  }
0x4: {  	_ = 	snop  }
0x5: {  	_ = 	snop  }
0x6: {  	_ = 	snop  }
0x7: {  	_ = 	snop  }
__scs_overlays_trampoline_lowered:
0x8: {  	[smem:$0x3FAA] =	sst s0  }
0x9: {  	[smem:$0x3FAB] =	sst s1  }
0xa: {  	[smem:$0x3FAC] =	sst s2  }
0xb: {  	[smem:$0x3FAD] =	sst s3  }
0xc: {  	[smem:$0x3FAE] =	sst s4  }
0xd: {  	[smem:$0x3FAF] =	sst s5  }
0xe: {  	[smem:$0x3FB0] =	sst s6  }
0xf: {  	[smem:$0x3FB1] =	sst s7  }
0x10: {  	[smem:$0x3FB2] =	sst s8  }
0x11: {  	[smem:$0x3FB3] =	sst s9;
	s0 =	simm.s32 @!p0 $0x0  }
0x12: {  	s1 =	sld [smem:$0x3F99];
	s0 =	simm.s32 @p0 $0x1  }
0x13: {  	[smem:$0x3FB4] =	sst s0;
	s0 =	simm.s32 @!p1 $0x0  }
0x14: {  	s2 =	sld [smem:$0x3F98];
	s0 =	simm.s32 @p1 $0x1  }
0x15: {  	[smem:$0x3FB5] =	sst s0;
	s0 =	simm.s32 @!p2 $0x0  }
0x16: {  	s3 =	sld [smem:$0x3FDB];
	s0 =	simm.s32 @p2 $0x1  }
0x17: {  	s4 =	simm.s32 $0x1BF5;
	[smem:$0x3FB7] =	sst s0  }
0x18: {  	s0 =	sld [smem:$0x3F9A];
	_ =	swait.ge [sflag:s4], $0x0  }
0x19: {  	s7 =	sld [smem:$0x3F9B]  }
0x1a: {  	s8 =	sadd.s32 $0xFFFFE003, lr  }
0x1b: {  	s9 =	sadd.s32 $0xFFFFFEF7, lr;
	s5 =	simm.s32 $0xFFFFFFFF;
	p2 =	slt.u32 s8, $0xFFFFF086  }
0x1c: {  	p1 =	slt.u32 s9, $0xF7A;
	s5 =	simm.s32 @!p2 $0x0  }
0x1d: {  	s5 =	simm.s32 @p1 $0x1;
	p0 =	seq.s32 s7, s2  }
0x1e: {  	s7 =	smul.u32 @!p0 $0xF7A, s2;
	p2 =	seq.s32 @!p0 s5, $0x0  }
0x1f: {  	s9 =	smul.u32 $0xF7A, s1;
	s8 =	simm.s32 @!p0 $0x1BF5;
	p2 =	por !p2, p0  }
0x20: {  	[sflag:s8] =	ssyncset.s32 @!p0 $0xFFFFF086;
	s6 =	sadd.s32 @!p0 s3, s7;
	s7 =	simm.s32 @!p0 $0x108  }
0x21: {  	s3 =	sadd.s32 s3, s9;
	s6 =	sadd.s32 @!p0 $0x88, s6;
	s7 =	simm.s32 @p2 $0x1082  }
0x22: {  	[simem:s7], [sflag:s8] =	dma.local @!p0 [hbm:s6], $0xF7A  }
0x23: {  	s9 =	sor.u32 $0xD0000000, s2;
	s6 =	simm.s32 $0x108;
	_ =	swait.ge @!p0 [sflag:s8], $0x0  }
0x24: {  	s3 =	sadd.s32 $0x88, s3;
	s6 =	simm.s32 @!p1 $0x1082;
	[sflag:s4] =	ssyncset.s32 $0xFFFFF086  }
0x25: {  	[simem:s6], [sflag:s4] =	dma.local [hbm:s3], $0xF7A  }
0x26: {  	[smem:$0x3F9B] =	sst s1;
	(tag) =	ssettag s2;
	_ =	strace s9  }
0x27: {  	s1 =	sld [smem:$0x3FAB]  }
0x28: {  	s2 =	sld [smem:$0x3FAC]  }
0x29: {  	s4 =	sld [smem:$0x3FAE]  }
0x2a: {  	p0 =	seq.s32 s5, $0x0;
	s5 =	sld [smem:$0x3FAF]  }
0x2b: {  	s6 =	sld [smem:$0x3FB0]  }
0x2c: {  	s7 =	sld [smem:$0x3FB1]  }
0x2d: {  	s3 =	simm.s32 $0x108;
	s8 =	sld [smem:$0x3FB2]  }
0x2e: {  	s3 =	simm.s32 @!p0 $0x1082;
	s9 =	sld [smem:$0x3FB3]  }
0x2f: {  	lr =	sadd.s32 s0, s3;
	s0 =	sld [smem:$0x3FAA]  }
0x30: {  	s3 =	sld [smem:$0x3FAD]  }
0x31: {  	[smem:$0x3FB6] =	sst s10  }
0x32: {  	s10 =	sld [smem:$0x3FB4];
	_ =	sdelay $0x3  }
0x33: {  	p0 =	seq.s32 s10, $0x1;
	s10 =	sld [smem:$0x3FB6];
	_ =	sdelay $0x3  }
0x34: {  	[smem:$0x3FB6] =	sst s10  }
0x35: {  	s10 =	sld [smem:$0x3FB5];
	_ =	sdelay $0x3  }
0x36: {  	p1 =	seq.s32 s10, $0x1;
	s10 =	sld [smem:$0x3FB6];
	_ =	sdelay $0x3  }
0x37: {  	[smem:$0x3FB6] =	sst s10  }
0x38: {  	s10 =	sld [smem:$0x3FB7]  }
0x39: {  	_ = 	snop;
	(pc) =	sbr.ind lr, $3  }
0x3a: {  	_ = 	snop  }
0x3b: {  	_ = 	snop  }
0x3c: {  	p2 =	seq.s32 s10, $0x1;
	s10 =	sld [smem:$0x3FB6]  }
0x3d: {  	_ =	shalt  }
0x3e: {  	_ =	shalt  }
0x3f: {  	_ =	shalt  }
0x40: {  	_ =	shalt  }
0x41: {  	_ =	shalt  }
0x42: {  	_ =	shalt  }
0x43: {  	_ =	shalt  }
0x44: {  	_ =	shalt  }
0x45: {  	_ =	shalt  }
0x46: {  	_ =	shalt  }
0x47: {  	_ =	shalt  }
0x48: {  	_ =	shalt  }
0x49: {  	_ =	shalt  }
0x4a: {  	_ =	shalt  }
0x4b: {  	_ =	shalt  }
0x4c: {  	_ =	shalt  }
0x4d: {  	_ =	shalt  }
0x4e: {  	_ =	shalt  }
0x4f: {  	_ =	shalt  }
0x50: {  	_ =	shalt  }
0x51: {  	_ =	shalt  }
0x52: {  	_ =	shalt  }
0x53: {  	_ =	shalt  }
0x54: {  	_ =	shalt  }
0x55: {  	_ =	shalt  }
0x56: {  	_ =	shalt  }
0x57: {  	_ =	shalt  }
0x58: {  	_ =	shalt  }
0x59: {  	_ =	shalt  }
0x5a: {  	_ =	shalt  }
0x5b: {  	_ =	shalt  }
0x5c: {  	_ =	shalt  }
0x5d: {  	_ =	shalt  }
0x5e: {  	_ =	shalt  }
0x5f: {  	_ =	shalt  }
0x60: {  	_ =	shalt  }
0x61: {  	_ =	shalt  }
0x62: {  	_ =	shalt  }
0x63: {  	_ =	shalt  }
0x64: {  	_ =	shalt  }
0x65: {  	_ =	shalt  }
0x66: {  	_ =	shalt  }
0x67: {  	_ =	shalt  }
0x68: {  	_ =	shalt  }
0x69: {  	_ =	shalt  }
0x6a: {  	_ =	shalt  }
0x6b: {  	_ =	shalt  }
0x6c: {  	_ =	shalt  }
0x6d: {  	_ =	shalt  }
0x6e: {  	_ =	shalt  }
0x6f: {  	_ =	shalt  }
0x70: {  	_ =	shalt  }
0x71: {  	_ =	shalt  }
0x72: {  	_ =	shalt  }
0x73: {  	_ =	shalt  }
0x74: {  	_ =	shalt  }
0x75: {  	_ =	shalt  }
0x76: {  	_ =	shalt  }
0x77: {  	_ =	shalt  }
0x78: {  	_ =	shalt  }
0x79: {  	_ =	shalt  }
0x7a: {  	_ =	shalt  }
0x7b: {  	_ =	shalt  }
0x7c: {  	_ =	shalt  }
0x7d: {  	_ =	shalt  }
0x7e: {  	_ =	shalt  }
0x7f: {  	_ =	shalt  }
0x80: {  	_ =	shalt  }
0x81: {  	_ =	shalt  }
0x82: {  	_ =	shalt  }
0x83: {  	_ =	shalt  }
0x84: {  	_ =	shalt  }
0x85: {  	_ =	shalt  }
0x86: {  	_ =	shalt  }
0x87: {  	_ =	shalt  }
.Lfunc_end0:
.L_simem_size_0:
called_computation_lowered:
.L_overlay_start_0:
0x88: {  	s2 =	sld [smem:$0x3FD9]  }
0x89: {  	s3 =	sld [smem:$0x3FFE];
	_ =	sdelay $0x1  }
0x8a: {  	s1 =	srdreg.scid  }
0x8b: {  	s0 =	sand.u32 $0x1, s1  }
0x8c: {  	s17 =	sshll.u32 s0, $0xA;
	s2 =	sadd.s32 s3, s2  }
0x8d: {  	s2 =	sadd.s32 s2, s17  }
0x8e: {  	[smem:$0x3FC2] =	sst s2  }
0x8f: {  	_ = 	snop  }
0x90: {  	s2 =	sld [smem:$0x3FC8];
	(tm) =	ssettm $0x1  }
0x91: {  	s18 =	sld [smem:$0x3FFB];
	_ =	sdelay $0x3  }
0x92: {  	_ =	strace s18  }
0x93: {  	s3 =	sld [smem:$0x3FFC];
	_ =	sdelay $0x3  }
0x94: {  	_ =	strace s3  }
0x95: {  	s3 =	sld [smem:$0x3FFD];
	_ =	sdelay $0x3  }
0x96: {  	_ =	strace s3  }
0x97: {  	_ =	strace $0x8FFFFFFF  }
0x98: {  	s19 =	sld [smem:$0x3FDB];
	_ =	sdelay $0x1  }
0x99: {  	s4 =	simm.s32 $_scs_section_size  }
0x9a: {  	s5 =	simm.s32 $_size__tile_overlayer_lowered;
	s6 =	simm.s32 $_tile_overlayer_lowered  }
0x9b: {  	s22 =	simm.s32 $0x1BFF;
	s21 =	sshll.u32 s6, $0x1;
	s3 =	sadd.s32 s4, s19  }
0x9c: {  	s7 =	simm.s32 $0x0;
	s20 =	sshll.u32 s5, $0x1;
	s5 =	sadd.s32 s21, s3  }
0x9d: {  	[timem:s7], [sflag:s22] =	dma.local [hbm:s5], s20  }
0x9e: {  	_ =	swait.ge [sflag:s22], s20  }
0x9f: {  	s4 =	ssub.s32 $0x0, s20;
	[sflag:s22] =	ssyncset.done $0x0  }
0xa0: {  	[sflag:s22] =	ssyncadd.s32 s4;
	_ =	sdelay $0x1  }
0xa1: {  	s23 =	simm.s32 $0x1B8B  }
0xa2: {  	_ =	swait.ge [sflag:s23], $0x1  }
0xa3: {  	[sflag:s23] =	ssyncset.done $0x0  }
0xa4: {  	s25 =	simm.s32 $0x1B8E;
	s24 =	sld [smem:$0x3FFE];
	[sflag:s23] =	ssyncadd.s32 $0xFFFFFFFF  }
0xa5: {  	s26 =	simm.s32 $execute0_lowered;
	[smem:$0x3FD2] =	sst s25  }
0xa6: {  	s5 =	sshll.u32 s26, $0x1;
	_ =	strace $0x80000046;
	[dreg:$0x1] =	wrdreg $0xFFFFFFFF  }
0xa7: {  	s28 =	simm.s32 $_size_execute0_lowered;
	s3 =	sadd.s32 s3, s5;
	[dreg:$0x0] =	wrdreg $0x0  }
0xa8: {  	s5 =	sshll.u32 s28, $0x1;
	[dreg:$0x2] =	wrdreg s3  }
0xa9: {  	[dreg:$0x3] =	wrdreg s5  }
0xaa: {  	[dreg:$0x4] =	wrdreg $0xC0  }
0xab: {  	_ =	task [dreg:s7], $0x5FFFF  }
0xac: {  	[dreg:$0x1] =	wrdreg $0xFFFFFFFF  }
0xad: {  	[dreg:$0x0] =	wrdreg $0x60  }
0xae: {  	[dreg:$0x2] =	wrdreg s24  }
0xaf: {  	[dreg:$0x3] =	wrdreg s2  }
0xb0: {  	[dreg:$0x4] =	wrdreg $0x9  }
0xb1: {  	_ =	task.clear_ibuf [dreg:s7], $0x5FFFF;
	_ =	strace $0x90000046  }
0xb2: {  	s29 =	simm.s32 $0x9;
	_ =	strace $0x80000048  }
0xb3: {  	_ =	swait.ge [sflag:s29], $0x1  }
0xb4: {  	[sflag:s29] =	ssyncadd.s32 $0xFFFFFFFF  }
0xb5: {  	_ =	strace $0x90000048  }
0xb6: {  	_ =	sfence  }
0xb7: {  	s30 =	sld [smem:$0x0];
	_ =	sdelay $0x2  }
0xb8: {  	s31 =	sshll.u32 s1, $0xD;
	s1 =	sshrl.u32 s1, $0x2  }
0xb9: {  	s3 =	sand.u32 $0x4000, s31;
	s1 =	sadd.s32 s1, s30  }
0xba: {  	s0 =	sor.u32 s3, s0;
	s1 =	sshll.u32 s1, $0x11  }
0xbb: {  	s0 =	sor.u32 s1, s0  }
0xbc: {  	s0 =	sadd.s32 $0x8F2B, s0  }
0xbd: {  	[sflag:s0] =	ssyncadd.remote.s32 $0x1  }
0xbe: {  	_ =	sfence.sel $0xFFFF  }
0xbf: {  	[dreg:$0x0] =	wrdreg $0xFFFFFFFF;
	(pc) =	sbr.abs _section_cstart, $3  }
0xc0: {  	[dreg:$0x1] =	wrdreg $0xFFFFFFFF  }
0xc1: {  	_ =	task.clear_ibuf [dreg:s7], $0x2FFFF;
	_ =	strace $0x9FFFFFFF  }
0xc2: {  	(tm) =	ssettm $0x7FFFFFFF  }
0xc3: {  	_ =	shalt  }
tec
execute0_lowered:
.L_overlay_start_1:
0x0: {  	(tag) =	ssettag $0x1  }
0x1: {  	s1 =	srdreg.scid;
	s5 =	rddreg [dreg:$0x0]  }
0x2: {  	s0 =	stileid.u32;
	s7 =	rddreg [dreg:$0x1];
	s2 =	simm.s32 $0x0  }
0x3: {  	s11 =	simm.s32 $0x9D00;
	s12 =	simm.s32 $0x1;
	s13 =	simm.s32 $0x2780  }
0x4: {  	s14 =	simm.s32 $0x80;
	s15 =	simm.s32 $0x400;
	s16 =	simm.s32 $0x2  }
0x5: {  	s17 =	simm.s32 $0x0;
	s4 =	sand.u32 $0x1, s1;
	s1 =	rddreg [dreg:$0x2]  }
0x6: {  	s29 =	sshll.u32 s0, $0x1;
	s30 =	sshrl.u32 s0, $0x2;
	[smem:$0x7FF] =	sst s2  }
0x7: {  	s9 =	sshll.u32 s0, $0x6;
	s6 =	sor.u32 s4, s29;
	s3 =	smul.u32 $0x13C00, s30  }
0x8: {  	_ =	strace $0x80000047;
	s4 =	ssub.s32 $0x2, s4;
	s8 =	sshll.u32 s6, $0x7  }
0x9: {  	s9 =	sand.u32 $0x300, s9;
	s31 =	smul.u32 $0x9C0, s6;
	s8 =	sand.u32 $0x380, s8  }
0xa: {  	s6 =	sshll.u32 s6, $0x4;
	s10 =	sshrl.u32 s4, $0x1;
	s3 =	sor.u32 s3, s8  }
0xb: {  	s6 =	sand.u32 $0x70, s6;
	s10 =	ssub.s32 s4, s10;
	s8 =	sshrl.u32 s3, $0x3  }
0xc: {  	s4 =	sadd.s32 s7, s31;
	s3 =	sadd.s32 $0x1600, s5;
	s8 =	sadd.s32 s8, s5  }
0xd: {  	s5 =	sor.u32 s6, s9;
	s6 =	sadd.s32 $0x13800, s7;
	s9 =	smax.u32 s10, $0x1  }
0xe: {  	v0 =	vimm.f32 $0.0e+00;
	s10 =	simm.s32 $0x4F00;
	s7 =	sadd.s32 $0x9D00, s5;
	s8 =	sadd.s32 $0x1C00, s8  }
.LBB2_1:
0xf: {  	[tilespmem:s2], [sflag:$0x1] =	stream.linear.gather [hbm4b:s3+s2], $0x2780, $0x38;
	[tilespmem:$0xA100] =	vst v63  }
0x10: {  	_ = 	snop  }
0x11: {  	[tilespmem:s10], [sflag:$0x1] =	stream.linear.gather [hbm4b:s4+s2], $0x4E00, $0x38;
	[tilespmem:$0xA100] =	vst v63  }
0x12: {  	s18 =	simm.s32 $0x40;
	s19 =	simm.s32 $0x0  }
0x13: {  	[tilespmem:s11], [sflag:$0x1] =	stream.linear.gather [hbm4b:s6+s2], $0x400, $0x38;
	[tilespmem:$0xA100] =	vst v63  }
.LBB2_2:
0x14: {  	p0 =	sne.s32 s18, $0x9C00;
	[tilespmem:s19+$0x2780] =	vst v0;
	s19 =	smov.u32 s18;
	s18 =	sadd.s32 $0x40, s18  }
.Ltmp0:
0x15: {  	(pc) =	sbr.rel @p0 .LBB2_2-.Ltmp0, $2  }
0x16: {  	_ =	sdelay $0x2  }
0x17: {  	s19 =	sshra.s32 s19, $0x2  }
0x18: {  	[tilespmem:s19+$0x2780] =	vst v0  }
0x19: {  	_ =	swait.ge [sflag:s12], $0x2780  }
0x1a: {  	[sflag:s12] =	ssyncset.done $0x0  }
0x1b: {  	[sflag:s12] =	ssyncadd.s32 $0xFFFFD880  }
0x1c: {  	_ =	swait.ge [sflag:s12], $0x4E00  }
0x1d: {  	[sflag:s12] =	ssyncset.done $0x0  }
0x1e: {  	[sflag:s12] =	ssyncadd.s32 $0xFFFFB200  }
0x1f: {  	s18 =	simm.s32 $0x0;
	_ =	swait.ge [sflag:s12], $0x400  }
0x20: {  	s30 =	sand.u32 $0x70, s18;
	s18 =	sand.u32 $0x7F00, s18;
	[sflag:s12] =	ssyncset.done $0x0  }
0x21: {  	s18 =	sor.u32 s30, s18;
	[sflag:s12] =	ssyncadd.s32 $0xFFFFFC00  }
0x22: {  	v2 =	vld [tilespmem:s18+$0x4F00];
	_ =	sdelay $0x4  }
0x23: {  	v1 =	vld [tilespmem:s18+$0x4F80];
	_ =	sdelay $0x2  }
0x24: {  	v2 =	vld.idx.msk [tilespmem:v2+s2+$0x0], $0xffff;
	_ =	sdelay $0x2  }
0x25: {  	s31 =	simm.s32 $0x10;
	s18 =	simm.s32 $0x20  }
0x26: {  	s19 =	simm.s32 $0x20;
	s20 =	sand.u32 $0x70, s31;
	s21 =	sand.u32 $0x7F00, s18  }
.LBB2_4:
0x27: {  	p0 =	sne.s32 s19, $0x26F0;
	s20 =	sor.u32 s20, s21;
	[tilespmem:v1+s13+$0x0] =	vst.idx.add.f32.msk $0xffff, v2  }
0x28: {  	v2 =	vld [tilespmem:s20+$0x4F00];
	_ =	sdelay $0x5  }
0x29: {  	v1 =	vld [tilespmem:s20+$0x4F80];
	_ =	sdelay $0x1  }
0x2a: {  	v2 =	vld.idx.msk [tilespmem:v2+s2+$0x0], $0xffff  }
.Ltmp1:
0x2b: {  	(pc) =	sbr.rel @p0 .LBB2_4-.Ltmp1, $3  }
0x2c: {  	_ =	sdelay $0x1  }
0x2d: {  	s18 =	sadd.s32 $0x20, s18  }
0x2e: {  	s21 =	sand.u32 $0x7F00, s18;
	s20 =	sand.u32 $0x70, s19;
	s19 =	sadd.s32 $0x10, s19  }
0x2f: {  	_ =	sdelay $0x3  }
0x30: {  	s18 =	sor.u32 s20, s21;
	[tilespmem:v1+s13+$0x0] =	vst.idx.add.f32.msk $0xffff, v2  }
0x31: {  	v1 =	vld [tilespmem:s18+$0x4F00];
	_ =	sdelay $0x4  }
0x32: {  	v2 =	vld [tilespmem:s18+$0x4F80];
	_ =	sdelay $0x2  }
0x33: {  	v1 =	vld.idx.msk [tilespmem:v1+s2+$0x0], $0xffff;
	_ =	sdelay $0x4  }
0x34: {  	[tilespmem:v2+s13+$0x0] =	vst.idx.add.f32.msk $0xffff, v1  }
0x35: {  	v1 =	vld [tilespmem:s5+$0x9D00];
	_ =	sdelay $0x4  }
0x36: {  	v2 =	vld [tilespmem:s7+$0x80];
	_ =	sdelay $0x2  }
0x37: {  	v1 =	vld.idx.msk [tilespmem:v1+s2+$0x0], $0xffff;
	_ =	sdelay $0x2  }
0x38: {  	s17 =	sadd.s32 $0x1, s17  }
0x39: {  	p0 =	sne.s32 s17, s9  }
.Ltmp2:
0x3a: {  	[tilespmem:v2+s13+$0x0] =	vst.idx.add.f32.msk $0xffff, v1;
	(pc) =	sbr.rel @p0 .LBB2_1-.Ltmp2, $4  }
0x3b: {  	[hbm4b:s8+s14] =	stream.strided.scatter [tilespmem:s13], [sflag:$0x2], $0x2780, s15, s14, $0x38;
	[tilespmem:$0xA100] =	vst v63  }
0x3c: {  	_ =	swait.ge [sflag:s16], $0x2780  }
0x3d: {  	[sflag:s16] =	ssyncset.done $0x0  }
0x3e: {  	[sflag:s16] =	ssyncadd.s32 $0xFFFFD880  }
0x3f: {  	_ =	sfence.sel $0x180000  }
0x40: {  	[bflag:$0x0] =	sbarrier.arrive $0xFFFF  }
0x41: {  	p0 =	sne.s32 s0, $0x0;
	_ =	strace $0x90000047  }
0x42: {  	s0 =	sadd.s32 @!p0 $0x100000, s1;
	[bflag:$0x2] =	sbarrier.arrive $0xFFFF  }
0x43: {  	[sflag:s0] =	ssyncadd.tile.s32 @!p0 $0x1;
	_ =	shalt  }
.Lfunc_end2:
_tile_overlayer_lowered:
.L_overlay_start_2:
0x44: {  	(tag) =	ssettag $0x2  }
0x45: {  	s0 =	rddreg [dreg:$0x0];
	s2 =	stileid.u32  }
0x46: {  	s1 =	rddreg [dreg:$0x1];
	p0 =	sne.s32 s2, $0x0  }
0x47: {  	s3 =	rddreg [dreg:$0x2];
	[bflag:$0x3] =	sbarrier.arrive $0xFFFF;
	s2 =	simm.s32 @!p0 $0x1C02  }
0x48: {  	[timem:s3], [sflag:s2] =	dma.local @!p0 [hbm:s0], s1  }
0x49: {  	s0 =	simm.s32 @!p0 $0x2  }
0x4a: {  	_ =	swait.ge @!p0 [sflag:s0], s1  }
0x4b: {  	s1 =	ssub.s32 @!p0 $0x0, s1;
	[sflag:s0] =	ssyncset.done @!p0 $0x0  }
0x4c: {  	[sflag:s0] =	ssyncadd.s32 @!p0 s1  }
0x4d: {  	[bflag:$0x3] =	sbarrier.arrive $0xFFFF  }
0x4e: {  	_ =	shalt  }

</sc_bundles>
